<compile_context>
chip_gen: v7x
topology: tpu7x:2x2x1
jax: 0.10.2.dev20260603
libtpu: 0.0.44.dev20260713+nightly
codegen_flags: <defaults>
</compile_context>

<pallas_src>
import functools

import jax
import jax.numpy as jnp
from jax import lax
from jax.experimental import pallas as pl
from jax.experimental.pallas import tpu as pltpu
from jax.experimental.pallas import tpu_sc as plsc

N = 10000
E = 320000
H = 128
HH = H // 2
K = 5

NCORES = 2
NSUB = 16
EPT = E // NSUB
CH2 = 128
NCH = 157
EPAD = NCH * CH2
EL = E + EPAD - EPT
NPAD = 10112
RPT = NPAD // NSUB
ZQ = 2
ZROWS = RPT // ZQ


def _make_segsum_body(table_half_rows, mode):
    off = table_half_rows

    def body(table, srcs, dsts, out, src_v, dst_v, src_cur0, dst_cur0,
             src_cur1, dst_cur1, rows0, rows1, zbuf, y_sh, gsem0, gsem1):
        c = lax.axis_index("c")
        s = lax.axis_index("s")
        coff = c.astype(jnp.int32) * off

        if mode == "gather":
            pltpu.sync_copy(srcs.at[s], src_v)
        pltpu.sync_copy(dsts.at[s], dst_v)

        @pl.loop(0, ZROWS)
        def _zero(i):
            for j in range(HH // 16):
                zbuf[i, pl.ds(j * 16, 16)] = jnp.zeros((16,), jnp.float32)

        for q in range(ZQ):
            pltpu.sync_copy(zbuf, y_sh.at[pl.ds(s * RPT + q * ZROWS, ZROWS)])

        if mode == "ones":
            @pl.loop(0, CH2)
            def _fill(i):
                for j in range(HH // 16):
                    rows0[i, pl.ds(j * 16, 16)] = (
                        jnp.zeros((16,), jnp.float32) + 1.0)

        plsc.subcore_barrier()

        def build_dst(j, dc):
            for i in range(CH2 // 16):
                dc[pl.ds(i * 16, 16)] = dst_v[j, pl.ds(i * 16, 16)]

        if mode == "ones":
            @pl.loop(0, NCH)
            def _edges(j):
                build_dst(j, dst_cur0)
                pltpu.sync_copy(rows0, y_sh.at[dst_cur0], add=True)
        else:
            lbase = (c * EL + s * EPT) if mode == "linear" else 0

            def fetch_src(j, sc):
                if mode == "linear":
                    return table.at[pl.ds(lbase + j * CH2, CH2)]
                return table.at[sc]

            def build_fire(j, sc, rows, sem):
                if mode == "gather":
                    for i in range(CH2 // 16):
                        sc[pl.ds(i * 16, 16)] = (
                            src_v[j, pl.ds(i * 16, 16)] + coff)
                pltpu.async_copy(fetch_src(j, sc), rows, sem)

            build_dst(0, dst_cur0)
            build_fire(0, src_cur0, rows0, gsem0)

            @pl.loop(0, NCH // 2)
            def _pairs(g):
                j0 = 2 * g
                build_dst(j0 + 1, dst_cur1)
                build_fire(j0 + 1, src_cur1, rows1, gsem1)
                pltpu.make_async_copy(fetch_src(j0, src_cur0),
                                      rows0, gsem0).wait()
                pltpu.sync_copy(rows0, y_sh.at[dst_cur0], add=True)
                build_dst(j0 + 2, dst_cur0)
                build_fire(j0 + 2, src_cur0, rows0, gsem0)
                pltpu.make_async_copy(fetch_src(j0 + 1, src_cur1),
                                      rows1, gsem1).wait()
                pltpu.sync_copy(rows1, y_sh.at[dst_cur1], add=True)

            jl = NCH - 1
            pltpu.make_async_copy(fetch_src(jl, src_cur0), rows0, gsem0).wait()
            pltpu.sync_copy(rows0, y_sh.at[dst_cur0], add=True)

        plsc.subcore_barrier()

        pltpu.sync_copy(y_sh.at[pl.ds(s * RPT, RPT)],
                        out.at[c, pl.ds(s * RPT, RPT)])

    return body


@functools.partial(jax.jit, static_argnums=(3, 4))
def _sc_segsum(table, srcs, dsts, table_half_rows, mode="gather"):
    mesh = plsc.VectorSubcoreMesh(core_axis_name="c", subcore_axis_name="s",
                                  num_cores=NCORES, num_subcores=NSUB)
    f = pl.kernel(
        _make_segsum_body(table_half_rows, mode),
        out_type=jax.ShapeDtypeStruct((NCORES, NPAD, HH), jnp.float32),
        mesh=mesh,
        scratch_types=[
            pltpu.VMEM((NCH, CH2), jnp.int32),
            pltpu.VMEM((NCH, CH2), jnp.int32),
            pltpu.VMEM((CH2,), jnp.int32),
            pltpu.VMEM((CH2,), jnp.int32),
            pltpu.VMEM((CH2,), jnp.int32),
            pltpu.VMEM((CH2,), jnp.int32),
            pltpu.VMEM((CH2, HH), jnp.float32),
            pltpu.VMEM((CH2, HH), jnp.float32),
            pltpu.VMEM((ZROWS, HH), jnp.float32),
            pltpu.VMEM_SHARED((NPAD, HH), jnp.float32),
            pltpu.SemaphoreType.DMA,
            pltpu.SemaphoreType.DMA,
        ],
        compiler_params=pltpu.CompilerParams(use_tc_tiling_on_sc=False),
    )
    return f(table, srcs, dsts)


def _pad_idx(idx, pad_value):
    idx = idx.reshape(NSUB, EPT)
    pad = jnp.full((NSUB, EPAD - EPT), pad_value, jnp.int32)
    return jnp.concatenate([idx, pad], axis=1).reshape(NSUB, NCH, CH2)


def _bn_relu(x, g, b):
    m = x.mean(axis=0)
    v = x.var(axis=0)
    return jax.nn.relu((x - m) / jnp.sqrt(v + 1e-5) * g + b)


def _tagconv(h, srcs, dsts, norm, n2pad, w, b):
    t = (h * norm).reshape(N, 2, HH).swapaxes(0, 1).reshape(2 * N, HH)
    acc = h @ w[:H]
    for k in range(1, K + 1):
        parts = _sc_segsum(t, srcs, dsts, N if k == 1 else NPAD)
        wk = w[k * H:(k + 1) * H]
        pk = norm * (parts[0, :N] @ wk[:HH] + parts[1, :N] @ wk[HH:])
        acc = acc + pk
        if k < K:
            t = (parts * n2pad).reshape(2 * NPAD, HH)
    return acc + b


def kernel(node_features, edge_index, edge_attr, lap_pe, params):
    src = edge_index[0]
    dst = edge_index[1]
    srcs = _pad_idx(src, 0)
    dsts = _pad_idx(dst, N)

    ones_tab = jnp.ones((16, HH), jnp.float32)
    deg = _sc_segsum(ones_tab, srcs, dsts, 8, "ones")
    deg = deg[0, :N, 0]
    norm = jnp.power(jnp.clip(deg, 1.0, None), -0.5)[:, None]
    n2pad = jnp.pad((norm * norm), ((0, NPAD - N), (0, 0)))[None]

    eproc = edge_attr @ params["edge_w"] + params["edge_b"]
    et = eproc.reshape(E, 2, HH).swapaxes(0, 1)
    et = jnp.pad(et, ((0, 0), (0, EL - E), (0, 0))).reshape(2 * EL, HH)
    agg = _sc_segsum(et, srcs, dsts, E, "linear")
    agg_edge = jnp.concatenate([agg[0, :N], agg[1, :N]], axis=1)

    h = (node_features @ params["in_w"] + params["in_b"]
         + lap_pe @ params["pos_w"] + params["pos_b"]
         + agg_edge)
    for m in params["blocks"]:
        h_in = h
        h = _tagconv(h, srcs, dsts, norm, n2pad, m["tag1_w"], m["tag1_b"])
        h = _bn_relu(h, m["bn1_g"], m["bn1_b"])
        h = _tagconv(h, srcs, dsts, norm, n2pad, m["tag2_w"], m["tag2_b"])
        h = _bn_relu(h, m["bn2_g"], m["bn2_b"])
        h = h @ m["ff_w"] + m["ff_b"]
        h = h + h_in
    pose = (jax.nn.relu(h @ params["pose1_w"] + params["pose1_b"])
            @ params["pose2_w"] + params["pose2_b"])
    y = h.mean(axis=0, keepdims=True)
    label = (jax.nn.relu(y @ params["lab1_w"] + params["lab1_b"])
             @ params["lab2_w"] + params["lab2_b"])
    return (pose, label)

# --- scband reference (transcript-rebuilt; emitter-appended) ---
"""Pipeline reference for scband-simple-pose-tag-14516989461135 (READ-ONLY COPY).

The authoritative reference and input builder live on the scoring server;
editing this copy changes nothing except your own understanding.
"""

import jax, jax.numpy as jnp
import numpy as np

N = 10000
E = 320000
H = 128
K = 5
L = 6
NC = 60


def _init_params(key):
    ks = iter(jax.random.split(key, 64))
    def lin(fan_in, fan_out):
        w = jax.random.normal(next(ks), (fan_in, fan_out), jnp.float32) * (1.0 / np.sqrt(fan_in))
        b = jnp.zeros((fan_out,), jnp.float32)
        return w, b
    p = {}
    p["in_w"], p["in_b"] = lin(2, H)
    p["pos_w"], p["pos_b"] = lin(K, H)
    p["edge_w"], p["edge_b"] = lin(4, H)
    blocks = []
    for _ in range(2 * L):  # num_layers Sequential blocks, 2 TAGConvModules each
        m = {}
        m["tag1_w"], m["tag1_b"] = lin((K + 1) * H, H)
        m["bn1_g"] = jnp.ones((H,), jnp.float32)
        m["bn1_b"] = jnp.zeros((H,), jnp.float32)
        m["tag2_w"], m["tag2_b"] = lin((K + 1) * H, H)
        m["bn2_g"] = jnp.ones((H,), jnp.float32)
        m["bn2_b"] = jnp.zeros((H,), jnp.float32)
        m["ff_w"], m["ff_b"] = lin(H, H)
        blocks.append(m)
    p["blocks"] = blocks
    p["pose1_w"], p["pose1_b"] = lin(H, H)
    p["pose2_w"], p["pose2_b"] = lin(H, 3)
    p["lab1_w"], p["lab1_b"] = lin(H, H)
    p["lab2_w"], p["lab2_b"] = lin(H, NC)
    return p


def setup_inputs(seed: int = 0) -> dict:
    key = jax.random.key(seed)
    k1, k2, k3, k4, k5 = jax.random.split(key, 5)
    node_features = jax.random.normal(k1, (N, 2), jnp.float32)
    edge_index = jax.random.randint(k2, (2, E), 0, N, jnp.int32)
    edge_attr = jax.random.normal(k3, (E, 4), jnp.float32)
    lap_pe = jax.random.normal(k4, (N, K), jnp.float32)
    params = _init_params(k5)
    return {"node_features": node_features, "edge_index": edge_index,
            "edge_attr": edge_attr, "lap_pe": lap_pe, "params": params}


def _bn(x, g, b):
    m = x.mean(axis=0)
    v = x.var(axis=0)
    return (x - m) / jnp.sqrt(v + 1e-5) * g + b


def _tagconv(x, src, dst, norm, w, b):
    # DGL TAGConv: concat([X, A_hat X, ..., A_hat^K X]) @ W + b, A_hat = D^-1/2 A D^-1/2
    fstack = [x]
    h = x
    for _ in range(K):
        h = h * norm
        h = jax.ops.segment_sum(h[src], dst, num_segments=N)
        h = h * norm
        fstack.append(h)
    return jnp.concatenate(fstack, axis=-1) @ w + b


def _module(h, src, dst, norm, m):
    h_in = h
    h = _tagconv(h, src, dst, norm, m["tag1_w"], m["tag1_b"])
    h = jax.nn.relu(_bn(h, m["bn1_g"], m["bn1_b"]))
    h = _tagconv(h, src, dst, norm, m["tag2_w"], m["tag2_b"])
    h = jax.nn.relu(_bn(h, m["bn2_g"], m["bn2_b"]))  # dropout = identity (eval)
    h = h @ m["ff_w"] + m["ff_b"]
    return h + h_in


def reference(node_features, edge_index, edge_attr, lap_pe, params):
    src = edge_index[0]
    dst = edge_index[1]
    deg = jax.ops.segment_sum(jnp.ones((E,), jnp.float32), dst, num_segments=N)
    norm = jnp.power(jnp.clip(deg, 1.0, None), -0.5)[:, None]
    # copy_e + sum aggregation of processed edge features
    eproc = edge_attr @ params["edge_w"] + params["edge_b"]
    agg_edge = jax.ops.segment_sum(eproc, dst, num_segments=N)
    h = (node_features @ params["in_w"] + params["in_b"]
         + lap_pe @ params["pos_w"] + params["pos_b"]
         + agg_edge)
    for m in params["blocks"]:
        h = _module(h, src, dst, norm, m)
    pose = jax.nn.relu(h @ params["pose1_w"] + params["pose1_b"]) @ params["pose2_w"] + params["pose2_b"]
    y = h.mean(axis=0, keepdims=True)  # dgl.mean_nodes, single graph
    label = jax.nn.relu(y @ params["lab1_w"] + params["lab1_b"]) @ params["lab2_w"] + params["lab2_b"]
    return (pose, label)

if __name__ == "__main__":
    import jax
    _d = setup_inputs()
    print(jax.jit(kernel)(*tuple(_d.values())))

</pallas_src>

<mosaic_0001>
#map = affine_map<(d0, d1) -> (0, 0)>
#map1 = affine_map<(d0, d1) -> (0, 0, 0)>
module attributes {stable_mosaic.version = 14 : i64} {
  func.func @body(%arg0: i32, %arg1: i32, %arg2: memref<16x64xf32, #tpu.memory_space<hbm>>, %arg3: memref<16x157x128xi32, #tpu.memory_space<hbm>>, %arg4: memref<16x157x128xi32, #tpu.memory_space<hbm>>, %arg5: memref<2x10112x64xf32, #tpu.memory_space<hbm>>, %arg6: memref<157x128xi32, #tpu.memory_space<vmem>>, %arg7: memref<157x128xi32, #tpu.memory_space<vmem>>, %arg8: memref<128xi32, #tpu.memory_space<vmem>>, %arg9: memref<128xi32, #tpu.memory_space<vmem>>, %arg10: memref<128xi32, #tpu.memory_space<vmem>>, %arg11: memref<128xi32, #tpu.memory_space<vmem>>, %arg12: memref<128x64xf32, #tpu.memory_space<vmem>>, %arg13: memref<128x64xf32, #tpu.memory_space<vmem>>, %arg14: memref<316x64xf32, #tpu.memory_space<vmem>>, %arg15: memref<10112x64xf32, #tpu.memory_space<vmem_shared>>, %arg16: memref<!tpu.dma_semaphore, #tpu.memory_space<semaphore_mem>>, %arg17: memref<!tpu.dma_semaphore, #tpu.memory_space<semaphore_mem>>) attributes {dimension_semantics = [#tpu.dimension_semantics<core_parallel>, #tpu.dimension_semantics<subcore_parallel>], iteration_bounds = array<i64: 2, 16>, scalar_prefetch = 0 : i64, scratch_operands = 12 : i64, tpu.core_type = #tpu.core_type<sc_vector_subcore>, window_params = [{transform_indices = #map}, {transform_indices = #map1}, {transform_indices = #map1}, {transform_indices = #map1}]} {
    %mul3A = arith.constant 8 : i32
    %mul3A_0 = arith.muli %arg0, %mul3A : i32
    "tpu.region"() ({
      %run_scoped3A = tpu.sem_alloc : memref<!tpu.dma_semaphore, #tpu.memory_space<semaphore_mem>>
      %dma_start3A = arith.constant 0 : i32
      %dma_start3A_27 = arith.constant 0 : i32
      %dma_start3A_28 = tpu.memref_slice %arg4[%arg1, %dma_start3A, %dma_start3A_27] : memref<16x157x128xi32, #tpu.memory_space<hbm>> -> memref<1x157x128xi32, #tpu.memory_space<hbm>>
      %dma_start3A_29 = tpu.memref_squeeze %dma_start3A_28 : memref<1x157x128xi32, #tpu.memory_space<hbm>> -> memref<157x128xi32, #tpu.memory_space<hbm>>
      %dma_start3A_30 = arith.constant 0 : i32
      %dma_start3A_31 = arith.constant 0 : i32
      %dma_start3A_32 = tpu.memref_slice %arg4[%arg1, %dma_start3A_30, %dma_start3A_31] : memref<16x157x128xi32, #tpu.memory_space<hbm>> -> memref<1x157x128xi32, #tpu.memory_space<hbm>>
      %dma_start3A_33 = tpu.memref_squeeze %dma_start3A_32 : memref<1x157x128xi32, #tpu.memory_space<hbm>> -> memref<157x128xi32, #tpu.memory_space<hbm>>
      tpu.enqueue_dma source(%dma_start3A_33 : memref<157x128xi32, #tpu.memory_space<hbm>>) target(%arg7 : memref<157x128xi32, #tpu.memory_space<vmem>>) target_semaphore(%run_scoped3A : memref<!tpu.dma_semaphore, #tpu.memory_space<semaphore_mem>>)
      %dma_wait3A = arith.constant 0 : i32
      %dma_wait3A_34 = arith.constant 0 : i32
      %dma_wait3A_35 = tpu.memref_slice %arg4[%arg1, %dma_wait3A, %dma_wait3A_34] : memref<16x157x128xi32, #tpu.memory_space<hbm>> -> memref<1x157x128xi32, #tpu.memory_space<hbm>>
      %dma_wait3A_36 = tpu.memref_squeeze %dma_wait3A_35 : memref<1x157x128xi32, #tpu.memory_space<hbm>> -> memref<157x128xi32, #tpu.memory_space<hbm>>
      %dma_wait3A_37 = arith.constant 0 : i32
      %dma_wait3A_38 = arith.constant 0 : i32
      %dma_wait3A_39 = tpu.memref_slice %arg4[%arg1, %dma_wait3A_37, %dma_wait3A_38] : memref<16x157x128xi32, #tpu.memory_space<hbm>> -> memref<1x157x128xi32, #tpu.memory_space<hbm>>
      %dma_wait3A_40 = tpu.memref_squeeze %dma_wait3A_39 : memref<1x157x128xi32, #tpu.memory_space<hbm>> -> memref<157x128xi32, #tpu.memory_space<hbm>>
      tpu.wait_dma2 semaphore(%run_scoped3A : memref<!tpu.dma_semaphore, #tpu.memory_space<semaphore_mem>>) src(%dma_wait3A_40 : memref<157x128xi32, #tpu.memory_space<hbm>>) dst(%arg7 : memref<157x128xi32, #tpu.memory_space<vmem>>)
      tpu.yield
    }) : () -> ()
    %scan3A = arith.constant 0 : i32
    %scan3A_1 = arith.constant 316 : i32
    %scan3A_2 = arith.addi %scan3A, %scan3A_1 : i32
    %scan3A_3 = arith.constant 1 : i32
    scf.for %scan3A_27 = %scan3A to %scan3A_2 step %scan3A_3  : i32 {
      %mul3A_28 = arith.constant 1 : i32
      %mul3A_29 = arith.muli %scan3A_27, %mul3A_28 : i32
      %add3A_30 = arith.constant 0 : i32
      %add3A_31 = arith.addi %add3A_30, %mul3A_29 : i32
      %broadcast_in_dim3A = arith.constant 0.000000e+00 : f32
      %broadcast_in_dim3A_32 = vector.broadcast %broadcast_in_dim3A : f32 to vector<16xf32>
      %swap3A = arith.index_cast %add3A_31 : i32 to index
      %swap3A_33 = arith.constant 0 : index
      %swap3A_34 = tpu.vector_load %arg14[%swap3A, %swap3A_33] {strides = array<i32>} : memref<316x64xf32, #tpu.memory_space<vmem>>, vector<1x16xf32>,
      %swap3A_35 = vector.shape_cast %swap3A_34 : vector<1x16xf32> to vector<16xf32>
      %swap3A_36 = vector.shape_cast %broadcast_in_dim3A_32 : vector<16xf32> to vector<1x16xf32>
      tpu.vector_store %arg14[%swap3A, %swap3A_33], %swap3A_36 {strides = array<i32>} : memref<316x64xf32, #tpu.memory_space<vmem>>, vector<1x16xf32>,
      %broadcast_in_dim3A_37 = arith.constant 0.000000e+00 : f32
      %broadcast_in_dim3A_38 = vector.broadcast %broadcast_in_dim3A_37 : f32 to vector<16xf32>
      %swap3A_39 = arith.index_cast %add3A_31 : i32 to index
      %swap3A_40 = arith.constant 16 : index
      %swap3A_41 = tpu.vector_load %arg14[%swap3A_39, %swap3A_40] {strides = array<i32>} : memref<316x64xf32, #tpu.memory_space<vmem>>, vector<1x16xf32>,
      %swap3A_42 = vector.shape_cast %swap3A_41 : vector<1x16xf32> to vector<16xf32>
      %swap3A_43 = vector.shape_cast %broadcast_in_dim3A_38 : vector<16xf32> to vector<1x16xf32>
      tpu.vector_store %arg14[%swap3A_39, %swap3A_40], %swap3A_43 {strides = array<i32>} : memref<316x64xf32, #tpu.memory_space<vmem>>, vector<1x16xf32>,
      %broadcast_in_dim3A_44 = arith.constant 0.000000e+00 : f32
      %broadcast_in_dim3A_45 = vector.broadcast %broadcast_in_dim3A_44 : f32 to vector<16xf32>
      %swap3A_46 = arith.index_cast %add3A_31 : i32 to index
      %swap3A_47 = arith.constant 32 : index
      %swap3A_48 = tpu.vector_load %arg14[%swap3A_46, %swap3A_47] {strides = array<i32>} : memref<316x64xf32, #tpu.memory_space<vmem>>, vector<1x16xf32>,
      %swap3A_49 = vector.shape_cast %swap3A_48 : vector<1x16xf32> to vector<16xf32>
      %swap3A_50 = vector.shape_cast %broadcast_in_dim3A_45 : vector<16xf32> to vector<1x16xf32>
      tpu.vector_store %arg14[%swap3A_46, %swap3A_47], %swap3A_50 {strides = array<i32>} : memref<316x64xf32, #tpu.memory_space<vmem>>, vector<1x16xf32>,
      %broadcast_in_dim3A_51 = arith.constant 0.000000e+00 : f32
      %broadcast_in_dim3A_52 = vector.broadcast %broadcast_in_dim3A_51 : f32 to vector<16xf32>
      %swap3A_53 = arith.index_cast %add3A_31 : i32 to index
      %swap3A_54 = arith.constant 48 : index
      %swap3A_55 = tpu.vector_load %arg14[%swap3A_53, %swap3A_54] {strides = array<i32>} : memref<316x64xf32, #tpu.memory_space<vmem>>, vector<1x16xf32>,
      %swap3A_56 = vector.shape_cast %swap3A_55 : vector<1x16xf32> to vector<16xf32>
      %swap3A_57 = vector.shape_cast %broadcast_in_dim3A_52 : vector<16xf32> to vector<1x16xf32>
      tpu.vector_store %arg14[%swap3A_53, %swap3A_54], %swap3A_57 {strides = array<i32>} : memref<316x64xf32, #tpu.memory_space<vmem>>, vector<1x16xf32>,
    }
    %scan3A_4 = arith.constant 316 : i32
    %mul3A_5 = arith.constant 632 : i32
    %mul3A_6 = arith.muli %arg1, %mul3A_5 : i32
    %add3A = arith.constant 0 : i32
    %add3A_7 = arith.addi %mul3A_6, %add3A : i32
    "tpu.region"() ({
      %run_scoped3A = tpu.sem_alloc : memref<!tpu.dma_semaphore, #tpu.memory_space<semaphore_mem>>
      %dma_start3A = arith.constant 0 : i32
      %dma_start3A_27 = tpu.memref_slice %arg15[%add3A_7, %dma_start3A] : memref<10112x64xf32, #tpu.memory_space<vmem_shared>> -> memref<316x64xf32, #tpu.memory_space<vmem_shared>>
      %dma_start3A_28 = arith.constant 0 : i32
      %dma_start3A_29 = tpu.memref_slice %arg15[%add3A_7, %dma_start3A_28] : memref<10112x64xf32, #tpu.memory_space<vmem_shared>> -> memref<316x64xf32, #tpu.memory_space<vmem_shared>>
      tpu.enqueue_dma source(%arg14 : memref<316x64xf32, #tpu.memory_space<vmem>>) target(%dma_start3A_29 : memref<316x64xf32, #tpu.memory_space<vmem_shared>>) target_semaphore(%run_scoped3A : memref<!tpu.dma_semaphore, #tpu.memory_space<semaphore_mem>>)
      %dma_wait3A = arith.constant 0 : i32
      %dma_wait3A_30 = tpu.memref_slice %arg15[%add3A_7, %dma_wait3A] : memref<10112x64xf32, #tpu.memory_space<vmem_shared>> -> memref<316x64xf32, #tpu.memory_space<vmem_shared>>
      %dma_wait3A_31 = arith.constant 0 : i32
      %dma_wait3A_32 = tpu.memref_slice %arg15[%add3A_7, %dma_wait3A_31] : memref<10112x64xf32, #tpu.memory_space<vmem_shared>> -> memref<316x64xf32, #tpu.memory_space<vmem_shared>>
      tpu.wait_dma2 semaphore(%run_scoped3A : memref<!tpu.dma_semaphore, #tpu.memory_space<semaphore_mem>>) src(%arg14 : memref<316x64xf32, #tpu.memory_space<vmem>>) dst(%dma_wait3A_32 : memref<316x64xf32, #tpu.memory_space<vmem_shared>>)
      tpu.yield
    }) : () -> ()
    %mul3A_8 = arith.constant 632 : i32
    %mul3A_9 = arith.muli %arg1, %mul3A_8 : i32
    %add3A_10 = arith.constant 316 : i32
    %add3A_11 = arith.addi %mul3A_9, %add3A_10 : i32
    "tpu.region"() ({
      %run_scoped3A = tpu.sem_alloc : memref<!tpu.dma_semaphore, #tpu.memory_space<semaphore_mem>>
      %dma_start3A = arith.constant 0 : i32
      %dma_start3A_27 = tpu.memref_slice %arg15[%add3A_11, %dma_start3A] : memref<10112x64xf32, #tpu.memory_space<vmem_shared>> -> memref<316x64xf32, #tpu.memory_space<vmem_shared>>
      %dma_start3A_28 = arith.constant 0 : i32
      %dma_start3A_29 = tpu.memref_slice %arg15[%add3A_11, %dma_start3A_28] : memref<10112x64xf32, #tpu.memory_space<vmem_shared>> -> memref<316x64xf32, #tpu.memory_space<vmem_shared>>
      tpu.enqueue_dma source(%arg14 : memref<316x64xf32, #tpu.memory_space<vmem>>) target(%dma_start3A_29 : memref<316x64xf32, #tpu.memory_space<vmem_shared>>) target_semaphore(%run_scoped3A : memref<!tpu.dma_semaphore, #tpu.memory_space<semaphore_mem>>)
      %dma_wait3A = arith.constant 0 : i32
      %dma_wait3A_30 = tpu.memref_slice %arg15[%add3A_11, %dma_wait3A] : memref<10112x64xf32, #tpu.memory_space<vmem_shared>> -> memref<316x64xf32, #tpu.memory_space<vmem_shared>>
      %dma_wait3A_31 = arith.constant 0 : i32
      %dma_wait3A_32 = tpu.memref_slice %arg15[%add3A_11, %dma_wait3A_31] : memref<10112x64xf32, #tpu.memory_space<vmem_shared>> -> memref<316x64xf32, #tpu.memory_space<vmem_shared>>
      tpu.wait_dma2 semaphore(%run_scoped3A : memref<!tpu.dma_semaphore, #tpu.memory_space<semaphore_mem>>) src(%arg14 : memref<316x64xf32, #tpu.memory_space<vmem>>) dst(%dma_wait3A_32 : memref<316x64xf32, #tpu.memory_space<vmem_shared>>)
      tpu.yield
    }) : () -> ()
    %scan3A_12 = arith.constant 0 : i32
    %scan3A_13 = arith.constant 128 : i32
    %scan3A_14 = arith.addi %scan3A_12, %scan3A_13 : i32
    %scan3A_15 = arith.constant 1 : i32
    scf.for %scan3A_27 = %scan3A_12 to %scan3A_14 step %scan3A_15  : i32 {
      %mul3A_28 = arith.constant 1 : i32
      %mul3A_29 = arith.muli %scan3A_27, %mul3A_28 : i32
      %add3A_30 = arith.constant 0 : i32
      %add3A_31 = arith.addi %add3A_30, %mul3A_29 : i32
      %broadcast_in_dim3A = arith.constant 0.000000e+00 : f32
      %broadcast_in_dim3A_32 = vector.broadcast %broadcast_in_dim3A : f32 to vector<16xf32>
      %add3A_33 = arith.constant 1.000000e+00 : f32
      %add3A_34 = vector.broadcast %add3A_33 : f32 to vector<16xf32>
      %add3A_35 = arith.addf %broadcast_in_dim3A_32, %add3A_34 : vector<16xf32>
      %swap3A = arith.index_cast %add3A_31 : i32 to index
      %swap3A_36 = arith.constant 0 : index
      %swap3A_37 = tpu.vector_load %arg12[%swap3A, %swap3A_36] {strides = array<i32>} : memref<128x64xf32, #tpu.memory_space<vmem>>, vector<1x16xf32>,
      %swap3A_38 = vector.shape_cast %swap3A_37 : vector<1x16xf32> to vector<16xf32>
      %swap3A_39 = vector.shape_cast %add3A_35 : vector<16xf32> to vector<1x16xf32>
      tpu.vector_store %arg12[%swap3A, %swap3A_36], %swap3A_39 {strides = array<i32>} : memref<128x64xf32, #tpu.memory_space<vmem>>, vector<1x16xf32>,
      %broadcast_in_dim3A_40 = arith.constant 0.000000e+00 : f32
      %broadcast_in_dim3A_41 = vector.broadcast %broadcast_in_dim3A_40 : f32 to vector<16xf32>
      %add3A_42 = arith.constant 1.000000e+00 : f32
      %add3A_43 = vector.broadcast %add3A_42 : f32 to vector<16xf32>
      %add3A_44 = arith.addf %broadcast_in_dim3A_41, %add3A_43 : vector<16xf32>
      %swap3A_45 = arith.index_cast %add3A_31 : i32 to index
      %swap3A_46 = arith.constant 16 : index
      %swap3A_47 = tpu.vector_load %arg12[%swap3A_45, %swap3A_46] {strides = array<i32>} : memref<128x64xf32, #tpu.memory_space<vmem>>, vector<1x16xf32>,
      %swap3A_48 = vector.shape_cast %swap3A_47 : vector<1x16xf32> to vector<16xf32>
      %swap3A_49 = vector.shape_cast %add3A_44 : vector<16xf32> to vector<1x16xf32>
      tpu.vector_store %arg12[%swap3A_45, %swap3A_46], %swap3A_49 {strides = array<i32>} : memref<128x64xf32, #tpu.memory_space<vmem>>, vector<1x16xf32>,
      %broadcast_in_dim3A_50 = arith.constant 0.000000e+00 : f32
      %broadcast_in_dim3A_51 = vector.broadcast %broadcast_in_dim3A_50 : f32 to vector<16xf32>
      %add3A_52 = arith.constant 1.000000e+00 : f32
      %add3A_53 = vector.broadcast %add3A_52 : f32 to vector<16xf32>
      %add3A_54 = arith.addf %broadcast_in_dim3A_51, %add3A_53 : vector<16xf32>
      %swap3A_55 = arith.index_cast %add3A_31 : i32 to index
      %swap3A_56 = arith.constant 32 : index
      %swap3A_57 = tpu.vector_load %arg12[%swap3A_55, %swap3A_56] {strides = array<i32>} : memref<128x64xf32, #tpu.memory_space<vmem>>, vector<1x16xf32>,
      %swap3A_58 = vector.shape_cast %swap3A_57 : vector<1x16xf32> to vector<16xf32>
      %swap3A_59 = vector.shape_cast %add3A_54 : vector<16xf32> to vector<1x16xf32>
      tpu.vector_store %arg12[%swap3A_55, %swap3A_56], %swap3A_59 {strides = array<i32>} : memref<128x64xf32, #tpu.memory_space<vmem>>, vector<1x16xf32>,
      %broadcast_in_dim3A_60 = arith.constant 0.000000e+00 : f32
      %broadcast_in_dim3A_61 = vector.broadcast %broadcast_in_dim3A_60 : f32 to vector<16xf32>
      %add3A_62 = arith.constant 1.000000e+00 : f32
      %add3A_63 = vector.broadcast %add3A_62 : f32 to vector<16xf32>
      %add3A_64 = arith.addf %broadcast_in_dim3A_61, %add3A_63 : vector<16xf32>
      %swap3A_65 = arith.index_cast %add3A_31 : i32 to index
      %swap3A_66 = arith.constant 48 : index
      %swap3A_67 = tpu.vector_load %arg12[%swap3A_65, %swap3A_66] {strides = array<i32>} : memref<128x64xf32, #tpu.memory_space<vmem>>, vector<1x16xf32>,
      %swap3A_68 = vector.shape_cast %swap3A_67 : vector<1x16xf32> to vector<16xf32>
      %swap3A_69 = vector.shape_cast %add3A_64 : vector<16xf32> to vector<1x16xf32>
      tpu.vector_store %arg12[%swap3A_65, %swap3A_66], %swap3A_69 {strides = array<i32>} : memref<128x64xf32, #tpu.memory_space<vmem>>, vector<1x16xf32>,
    }
    %scan3A_16 = arith.constant 128 : i32
    %barrier3A = arith.constant 0 : index
    tpu.barrier barrier_id(%barrier3A)
    %scan3A_17 = arith.constant 0 : i32
    %scan3A_18 = arith.constant 157 : i32
    %scan3A_19 = arith.addi %scan3A_17, %scan3A_18 : i32
    %scan3A_20 = arith.constant 1 : i32
    scf.for %scan3A_27 = %scan3A_17 to %scan3A_19 step %scan3A_20  : i32 {
      %mul3A_28 = arith.constant 1 : i32
      %mul3A_29 = arith.muli %scan3A_27, %mul3A_28 : i32
      %add3A_30 = arith.constant 0 : i32
      %add3A_31 = arith.addi %add3A_30, %mul3A_29 : i32
      %get3A = arith.index_cast %add3A_31 : i32 to index
      %get3A_32 = arith.constant 0 : index
      %get3A_33 = tpu.vector_load %arg7[%get3A, %get3A_32] {strides = array<i32>} : memref<157x128xi32, #tpu.memory_space<vmem>>, vector<1x16xi32>,
      %get3A_34 = vector.shape_cast %get3A_33 : vector<1x16xi32> to vector<16xi32>
      %swap3A = arith.constant 0 : index
      %swap3A_35 = tpu.vector_load %arg9[%swap3A] {strides = array<i32>} : memref<128xi32, #tpu.memory_space<vmem>>, vector<16xi32>,
      %swap3A_36 = vector.shape_cast %swap3A_35 : vector<16xi32> to vector<16xi32>
      %swap3A_37 = vector.shape_cast %get3A_34 : vector<16xi32> to vector<16xi32>
      tpu.vector_store %arg9[%swap3A], %swap3A_37 {strides = array<i32>} : memref<128xi32, #tpu.memory_space<vmem>>, vector<16xi32>,
      %get3A_38 = arith.index_cast %add3A_31 : i32 to index
      %get3A_39 = arith.constant 16 : index
      %get3A_40 = tpu.vector_load %arg7[%get3A_38, %get3A_39] {strides = array<i32>} : memref<157x128xi32, #tpu.memory_space<vmem>>, vector<1x16xi32>,
      %get3A_41 = vector.shape_cast %get3A_40 : vector<1x16xi32> to vector<16xi32>
      %swap3A_42 = arith.constant 16 : index
      %swap3A_43 = tpu.vector_load %arg9[%swap3A_42] {strides = array<i32>} : memref<128xi32, #tpu.memory_space<vmem>>, vector<16xi32>,
      %swap3A_44 = vector.shape_cast %swap3A_43 : vector<16xi32> to vector<16xi32>
      %swap3A_45 = vector.shape_cast %get3A_41 : vector<16xi32> to vector<16xi32>
      tpu.vector_store %arg9[%swap3A_42], %swap3A_45 {strides = array<i32>} : memref<128xi32, #tpu.memory_space<vmem>>, vector<16xi32>,
      %get3A_46 = arith.index_cast %add3A_31 : i32 to index
      %get3A_47 = arith.constant 32 : index
      %get3A_48 = tpu.vector_load %arg7[%get3A_46, %get3A_47] {strides = array<i32>} : memref<157x128xi32, #tpu.memory_space<vmem>>, vector<1x16xi32>,
      %get3A_49 = vector.shape_cast %get3A_48 : vector<1x16xi32> to vector<16xi32>
      %swap3A_50 = arith.constant 32 : index
      %swap3A_51 = tpu.vector_load %arg9[%swap3A_50] {strides = array<i32>} : memref<128xi32, #tpu.memory_space<vmem>>, vector<16xi32>,
      %swap3A_52 = vector.shape_cast %swap3A_51 : vector<16xi32> to vector<16xi32>
      %swap3A_53 = vector.shape_cast %get3A_49 : vector<16xi32> to vector<16xi32>
      tpu.vector_store %arg9[%swap3A_50], %swap3A_53 {strides = array<i32>} : memref<128xi32, #tpu.memory_space<vmem>>, vector<16xi32>,
      %get3A_54 = arith.index_cast %add3A_31 : i32 to index
      %get3A_55 = arith.constant 48 : index
      %get3A_56 = tpu.vector_load %arg7[%get3A_54, %get3A_55] {strides = array<i32>} : memref<157x128xi32, #tpu.memory_space<vmem>>, vector<1x16xi32>,
      %get3A_57 = vector.shape_cast %get3A_56 : vector<1x16xi32> to vector<16xi32>
      %swap3A_58 = arith.constant 48 : index
      %swap3A_59 = tpu.vector_load %arg9[%swap3A_58] {strides = array<i32>} : memref<128xi32, #tpu.memory_space<vmem>>, vector<16xi32>,
      %swap3A_60 = vector.shape_cast %swap3A_59 : vector<16xi32> to vector<16xi32>
      %swap3A_61 = vector.shape_cast %get3A_57 : vector<16xi32> to vector<16xi32>
      tpu.vector_store %arg9[%swap3A_58], %swap3A_61 {strides = array<i32>} : memref<128xi32, #tpu.memory_space<vmem>>, vector<16xi32>,
      %get3A_62 = arith.index_cast %add3A_31 : i32 to index
      %get3A_63 = arith.constant 64 : index
      %get3A_64 = tpu.vector_load %arg7[%get3A_62, %get3A_63] {strides = array<i32>} : memref<157x128xi32, #tpu.memory_space<vmem>>, vector<1x16xi32>,
      %get3A_65 = vector.shape_cast %get3A_64 : vector<1x16xi32> to vector<16xi32>
      %swap3A_66 = arith.constant 64 : index
      %swap3A_67 = tpu.vector_load %arg9[%swap3A_66] {strides = array<i32>} : memref<128xi32, #tpu.memory_space<vmem>>, vector<16xi32>,
      %swap3A_68 = vector.shape_cast %swap3A_67 : vector<16xi32> to vector<16xi32>
      %swap3A_69 = vector.shape_cast %get3A_65 : vector<16xi32> to vector<16xi32>
      tpu.vector_store %arg9[%swap3A_66], %swap3A_69 {strides = array<i32>} : memref<128xi32, #tpu.memory_space<vmem>>, vector<16xi32>,
      %get3A_70 = arith.index_cast %add3A_31 : i32 to index
      %get3A_71 = arith.constant 80 : index
      %get3A_72 = tpu.vector_load %arg7[%get3A_70, %get3A_71] {strides = array<i32>} : memref<157x128xi32, #tpu.memory_space<vmem>>, vector<1x16xi32>,
      %get3A_73 = vector.shape_cast %get3A_72 : vector<1x16xi32> to vector<16xi32>
      %swap3A_74 = arith.constant 80 : index
      %swap3A_75 = tpu.vector_load %arg9[%swap3A_74] {strides = array<i32>} : memref<128xi32, #tpu.memory_space<vmem>>, vector<16xi32>,
      %swap3A_76 = vector.shape_cast %swap3A_75 : vector<16xi32> to vector<16xi32>
      %swap3A_77 = vector.shape_cast %get3A_73 : vector<16xi32> to vector<16xi32>
      tpu.vector_store %arg9[%swap3A_74], %swap3A_77 {strides = array<i32>} : memref<128xi32, #tpu.memory_space<vmem>>, vector<16xi32>,
      %get3A_78 = arith.index_cast %add3A_31 : i32 to index
      %get3A_79 = arith.constant 96 : index
      %get3A_80 = tpu.vector_load %arg7[%get3A_78, %get3A_79] {strides = array<i32>} : memref<157x128xi32, #tpu.memory_space<vmem>>, vector<1x16xi32>,
      %get3A_81 = vector.shape_cast %get3A_80 : vector<1x16xi32> to vector<16xi32>
      %swap3A_82 = arith.constant 96 : index
      %swap3A_83 = tpu.vector_load %arg9[%swap3A_82] {strides = array<i32>} : memref<128xi32, #tpu.memory_space<vmem>>, vector<16xi32>,
      %swap3A_84 = vector.shape_cast %swap3A_83 : vector<16xi32> to vector<16xi32>
      %swap3A_85 = vector.shape_cast %get3A_81 : vector<16xi32> to vector<16xi32>
      tpu.vector_store %arg9[%swap3A_82], %swap3A_85 {strides = array<i32>} : memref<128xi32, #tpu.memory_space<vmem>>, vector<16xi32>,
      %get3A_86 = arith.index_cast %add3A_31 : i32 to index
      %get3A_87 = arith.constant 112 : index
      %get3A_88 = tpu.vector_load %arg7[%get3A_86, %get3A_87] {strides = array<i32>} : memref<157x128xi32, #tpu.memory_space<vmem>>, vector<1x16xi32>,
      %get3A_89 = vector.shape_cast %get3A_88 : vector<1x16xi32> to vector<16xi32>
      %swap3A_90 = arith.constant 112 : index
      %swap3A_91 = tpu.vector_load %arg9[%swap3A_90] {strides = array<i32>} : memref<128xi32, #tpu.memory_space<vmem>>, vector<16xi32>,
      %swap3A_92 = vector.shape_cast %swap3A_91 : vector<16xi32> to vector<16xi32>
      %swap3A_93 = vector.shape_cast %get3A_89 : vector<16xi32> to vector<16xi32>
      tpu.vector_store %arg9[%swap3A_90], %swap3A_93 {strides = array<i32>} : memref<128xi32, #tpu.memory_space<vmem>>, vector<16xi32>,
      "tpu.region"() ({
        %run_scoped3A = tpu.sem_alloc : memref<!tpu.dma_semaphore, #tpu.memory_space<semaphore_mem>>
        %dma_start3A = arith.constant 0 : i32
        %dma_start3A_94 = arith.constant 0 : i32
        %dma_start3A_95 = tpu.memref_slice %arg15[%dma_start3A, %dma_start3A_94] : memref<10112x64xf32, #tpu.memory_space<vmem_shared>> -> memref<10112x64xf32, #tpu.memory_space<vmem_shared>>
        tpu.enqueue_indirect_dma source(%arg12 : memref<128x64xf32, #tpu.memory_space<vmem>>) target(%dma_start3A_95 : memref<10112x64xf32, #tpu.memory_space<vmem_shared>>) offsets(%arg9 : memref<128xi32, #tpu.memory_space<vmem>>) semaphore(%run_scoped3A : memref<!tpu.dma_semaphore, #tpu.memory_space<semaphore_mem>>) {add = true}
        %dma_wait3A = arith.constant 0 : i32
        %dma_wait3A_96 = arith.constant 0 : i32
        %dma_wait3A_97 = tpu.memref_slice %arg15[%dma_wait3A, %dma_wait3A_96] : memref<10112x64xf32, #tpu.memory_space<vmem_shared>> -> memref<10112x64xf32, #tpu.memory_space<vmem_shared>>
        tpu.wait_indirect_dma semaphore(%run_scoped3A : memref<!tpu.dma_semaphore, #tpu.memory_space<semaphore_mem>>) src(%arg12 : memref<128x64xf32, #tpu.memory_space<vmem>>) dst(%dma_wait3A_97 : memref<10112x64xf32, #tpu.memory_space<vmem_shared>>)
        tpu.yield
      }) : () -> ()
    }
    %scan3A_21 = arith.constant 157 : i32
    %barrier3A_22 = arith.constant 0 : index
    tpu.barrier barrier_id(%barrier3A_22)
    %mul3A_23 = arith.constant 632 : i32
    %mul3A_24 = arith.muli %arg1, %mul3A_23 : i32
    %mul3A_25 = arith.constant 632 : i32
    %mul3A_26 = arith.muli %arg1, %mul3A_25 : i32
    "tpu.region"() ({
      %run_scoped3A = tpu.sem_alloc : memref<!tpu.dma_semaphore, #tpu.memory_space<semaphore_mem>>
      %dma_start3A = arith.constant 0 : i32
      %dma_start3A_27 = tpu.memref_slice %arg5[%arg0, %mul3A_26, %dma_start3A] : memref<2x10112x64xf32, #tpu.memory_space<hbm>> -> memref<1x632x64xf32, #tpu.memory_space<hbm>>
      %dma_start3A_28 = tpu.memref_squeeze %dma_start3A_27 : memref<1x632x64xf32, #tpu.memory_space<hbm>> -> memref<632x64xf32, #tpu.memory_space<hbm>>
      %dma_start3A_29 = arith.constant 0 : i32
      %dma_start3A_30 = tpu.memref_slice %arg15[%mul3A_24, %dma_start3A_29] : memref<10112x64xf32, #tpu.memory_space<vmem_shared>> -> memref<632x64xf32, #tpu.memory_space<vmem_shared>>
      tpu.enqueue_dma source(%dma_start3A_30 : memref<632x64xf32, #tpu.memory_space<vmem_shared>>) target(%dma_start3A_28 : memref<632x64xf32, #tpu.memory_space<hbm>>) target_semaphore(%run_scoped3A : memref<!tpu.dma_semaphore, #tpu.memory_space<semaphore_mem>>)
      %dma_wait3A = arith.constant 0 : i32
      %dma_wait3A_31 = tpu.memref_slice %arg5[%arg0, %mul3A_26, %dma_wait3A] : memref<2x10112x64xf32, #tpu.memory_space<hbm>> -> memref<1x632x64xf32, #tpu.memory_space<hbm>>
      %dma_wait3A_32 = tpu.memref_squeeze %dma_wait3A_31 : memref<1x632x64xf32, #tpu.memory_space<hbm>> -> memref<632x64xf32, #tpu.memory_space<hbm>>
      %dma_wait3A_33 = arith.constant 0 : i32
      %dma_wait3A_34 = tpu.memref_slice %arg15[%mul3A_24, %dma_wait3A_33] : memref<10112x64xf32, #tpu.memory_space<vmem_shared>> -> memref<632x64xf32, #tpu.memory_space<vmem_shared>>
      tpu.wait_dma2 semaphore(%run_scoped3A : memref<!tpu.dma_semaphore, #tpu.memory_space<semaphore_mem>>) src(%dma_wait3A_34 : memref<632x64xf32, #tpu.memory_space<vmem_shared>>) dst(%dma_wait3A_32 : memref<632x64xf32, #tpu.memory_space<hbm>>)
      tpu.yield
    }) : () -> ()
    return
  }
}

</mosaic_0001>

<sc_bundles>
// kernel: _sc_segsum.3.cloned.1.call-start
scs
__scs_entry_jumppad:
0x0: {  	(pc) =	sbr.rel $0x88, $3  }
0x1: {  	(tag) =	ssettag $0x0;
	lr =	simm.s32 $0x1  }
0x2: {  	[smem:$0x3F9E] =	sst lr;
	_ =	strace $0xD0000000  }
0x3: {  	_ = 	snop  }
0x4: {  	_ = 	snop  }
0x5: {  	_ = 	snop  }
0x6: {  	_ = 	snop  }
0x7: {  	_ = 	snop  }
__scs_overlays_trampoline_lowered:
0x8: {  	[smem:$0x3FAD] =	sst s0  }
0x9: {  	[smem:$0x3FAE] =	sst s1  }
0xa: {  	[smem:$0x3FAF] =	sst s2  }
0xb: {  	[smem:$0x3FB0] =	sst s3  }
0xc: {  	[smem:$0x3FB1] =	sst s4  }
0xd: {  	[smem:$0x3FB2] =	sst s5  }
0xe: {  	[smem:$0x3FB3] =	sst s6  }
0xf: {  	[smem:$0x3FB4] =	sst s7  }
0x10: {  	[smem:$0x3FB5] =	sst s8  }
0x11: {  	[smem:$0x3FB6] =	sst s9;
	s0 =	simm.s32 @!p0 $0x0  }
0x12: {  	s1 =	sld [smem:$0x3F9C];
	s0 =	simm.s32 @p0 $0x1  }
0x13: {  	[smem:$0x3FB7] =	sst s0;
	s0 =	simm.s32 @!p1 $0x0  }
0x14: {  	s2 =	sld [smem:$0x3F9B];
	s0 =	simm.s32 @p1 $0x1  }
0x15: {  	[smem:$0x3FB8] =	sst s0;
	s0 =	simm.s32 @!p2 $0x0  }
0x16: {  	s3 =	sld [smem:$0x3FDB];
	s0 =	simm.s32 @p2 $0x1  }
0x17: {  	s4 =	simm.s32 $0x1BF5;
	[smem:$0x3FBA] =	sst s0  }
0x18: {  	s0 =	sld [smem:$0x3F9D];
	_ =	swait.ge [sflag:s4], $0x0  }
0x19: {  	s7 =	sld [smem:$0x3F9E]  }
0x1a: {  	s8 =	sadd.s32 $0xFFFFE003, lr  }
0x1b: {  	s9 =	sadd.s32 $0xFFFFFEF7, lr;
	s5 =	simm.s32 $0xFFFFFFFF;
	p2 =	slt.u32 s8, $0xFFFFF086  }
0x1c: {  	p1 =	slt.u32 s9, $0xF7A;
	s5 =	simm.s32 @!p2 $0x0  }
0x1d: {  	s5 =	simm.s32 @p1 $0x1;
	p0 =	seq.s32 s7, s2  }
0x1e: {  	s7 =	smul.u32 @!p0 $0xF7A, s2;
	p2 =	seq.s32 @!p0 s5, $0x0  }
0x1f: {  	s9 =	smul.u32 $0xF7A, s1;
	s8 =	simm.s32 @!p0 $0x1BF5;
	p2 =	por !p2, p0  }
0x20: {  	[sflag:s8] =	ssyncset.s32 @!p0 $0xFFFFF086;
	s6 =	sadd.s32 @!p0 s3, s7;
	s7 =	simm.s32 @!p0 $0x108  }
0x21: {  	s3 =	sadd.s32 s3, s9;
	s6 =	sadd.s32 @!p0 $0x88, s6;
	s7 =	simm.s32 @p2 $0x1082  }
0x22: {  	[simem:s7], [sflag:s8] =	dma.local @!p0 [hbm:s6], $0xF7A  }
0x23: {  	s9 =	sor.u32 $0xD0000000, s2;
	s6 =	simm.s32 $0x108;
	_ =	swait.ge @!p0 [sflag:s8], $0x0  }
0x24: {  	s3 =	sadd.s32 $0x88, s3;
	s6 =	simm.s32 @!p1 $0x1082;
	[sflag:s4] =	ssyncset.s32 $0xFFFFF086  }
0x25: {  	[simem:s6], [sflag:s4] =	dma.local [hbm:s3], $0xF7A  }
0x26: {  	[smem:$0x3F9E] =	sst s1;
	(tag) =	ssettag s2;
	_ =	strace s9  }
0x27: {  	s1 =	sld [smem:$0x3FAE]  }
0x28: {  	s2 =	sld [smem:$0x3FAF]  }
0x29: {  	s4 =	sld [smem:$0x3FB1]  }
0x2a: {  	p0 =	seq.s32 s5, $0x0;
	s5 =	sld [smem:$0x3FB2]  }
0x2b: {  	s6 =	sld [smem:$0x3FB3]  }
0x2c: {  	s7 =	sld [smem:$0x3FB4]  }
0x2d: {  	s3 =	simm.s32 $0x108;
	s8 =	sld [smem:$0x3FB5]  }
0x2e: {  	s3 =	simm.s32 @!p0 $0x1082;
	s9 =	sld [smem:$0x3FB6]  }
0x2f: {  	lr =	sadd.s32 s0, s3;
	s0 =	sld [smem:$0x3FAD]  }
0x30: {  	s3 =	sld [smem:$0x3FB0]  }
0x31: {  	[smem:$0x3FB9] =	sst s10  }
0x32: {  	s10 =	sld [smem:$0x3FB7];
	_ =	sdelay $0x3  }
0x33: {  	p0 =	seq.s32 s10, $0x1;
	s10 =	sld [smem:$0x3FB9];
	_ =	sdelay $0x3  }
0x34: {  	[smem:$0x3FB9] =	sst s10  }
0x35: {  	s10 =	sld [smem:$0x3FB8];
	_ =	sdelay $0x3  }
0x36: {  	p1 =	seq.s32 s10, $0x1;
	s10 =	sld [smem:$0x3FB9];
	_ =	sdelay $0x3  }
0x37: {  	[smem:$0x3FB9] =	sst s10  }
0x38: {  	s10 =	sld [smem:$0x3FBA]  }
0x39: {  	_ = 	snop;
	(pc) =	sbr.ind lr, $3  }
0x3a: {  	_ = 	snop  }
0x3b: {  	_ = 	snop  }
0x3c: {  	p2 =	seq.s32 s10, $0x1;
	s10 =	sld [smem:$0x3FB9]  }
0x3d: {  	_ =	shalt  }
0x3e: {  	_ =	shalt  }
0x3f: {  	_ =	shalt  }
0x40: {  	_ =	shalt  }
0x41: {  	_ =	shalt  }
0x42: {  	_ =	shalt  }
0x43: {  	_ =	shalt  }
0x44: {  	_ =	shalt  }
0x45: {  	_ =	shalt  }
0x46: {  	_ =	shalt  }
0x47: {  	_ =	shalt  }
0x48: {  	_ =	shalt  }
0x49: {  	_ =	shalt  }
0x4a: {  	_ =	shalt  }
0x4b: {  	_ =	shalt  }
0x4c: {  	_ =	shalt  }
0x4d: {  	_ =	shalt  }
0x4e: {  	_ =	shalt  }
0x4f: {  	_ =	shalt  }
0x50: {  	_ =	shalt  }
0x51: {  	_ =	shalt  }
0x52: {  	_ =	shalt  }
0x53: {  	_ =	shalt  }
0x54: {  	_ =	shalt  }
0x55: {  	_ =	shalt  }
0x56: {  	_ =	shalt  }
0x57: {  	_ =	shalt  }
0x58: {  	_ =	shalt  }
0x59: {  	_ =	shalt  }
0x5a: {  	_ =	shalt  }
0x5b: {  	_ =	shalt  }
0x5c: {  	_ =	shalt  }
0x5d: {  	_ =	shalt  }
0x5e: {  	_ =	shalt  }
0x5f: {  	_ =	shalt  }
0x60: {  	_ =	shalt  }
0x61: {  	_ =	shalt  }
0x62: {  	_ =	shalt  }
0x63: {  	_ =	shalt  }
0x64: {  	_ =	shalt  }
0x65: {  	_ =	shalt  }
0x66: {  	_ =	shalt  }
0x67: {  	_ =	shalt  }
0x68: {  	_ =	shalt  }
0x69: {  	_ =	shalt  }
0x6a: {  	_ =	shalt  }
0x6b: {  	_ =	shalt  }
0x6c: {  	_ =	shalt  }
0x6d: {  	_ =	shalt  }
0x6e: {  	_ =	shalt  }
0x6f: {  	_ =	shalt  }
0x70: {  	_ =	shalt  }
0x71: {  	_ =	shalt  }
0x72: {  	_ =	shalt  }
0x73: {  	_ =	shalt  }
0x74: {  	_ =	shalt  }
0x75: {  	_ =	shalt  }
0x76: {  	_ =	shalt  }
0x77: {  	_ =	shalt  }
0x78: {  	_ =	shalt  }
0x79: {  	_ =	shalt  }
0x7a: {  	_ =	shalt  }
0x7b: {  	_ =	shalt  }
0x7c: {  	_ =	shalt  }
0x7d: {  	_ =	shalt  }
0x7e: {  	_ =	shalt  }
0x7f: {  	_ =	shalt  }
0x80: {  	_ =	shalt  }
0x81: {  	_ =	shalt  }
0x82: {  	_ =	shalt  }
0x83: {  	_ =	shalt  }
0x84: {  	_ =	shalt  }
0x85: {  	_ =	shalt  }
0x86: {  	_ =	shalt  }
0x87: {  	_ =	shalt  }
.Lfunc_end0:
.L_simem_size_0:
called_computation_lowered:
.L_overlay_start_0:
0x88: {  	s2 =	sld [smem:$0x3FD9]  }
0x89: {  	s3 =	sld [smem:$0x3FFE];
	_ =	sdelay $0x1  }
0x8a: {  	s1 =	srdreg.scid  }
0x8b: {  	s0 =	sand.u32 $0x1, s1  }
0x8c: {  	s17 =	sshll.u32 s0, $0xA;
	s2 =	sadd.s32 s3, s2  }
0x8d: {  	s2 =	sadd.s32 s2, s17  }
0x8e: {  	[smem:$0x3FC5] =	sst s2  }
0x8f: {  	_ = 	snop  }
0x90: {  	s2 =	sld [smem:$0x3FD0];
	(tm) =	ssettm $0x1  }
0x91: {  	s18 =	sld [smem:$0x3FFB];
	_ =	sdelay $0x3  }
0x92: {  	_ =	strace s18  }
0x93: {  	s3 =	sld [smem:$0x3FFC];
	_ =	sdelay $0x3  }
0x94: {  	_ =	strace s3  }
0x95: {  	s3 =	sld [smem:$0x3FFD];
	_ =	sdelay $0x3  }
0x96: {  	_ =	strace s3  }
0x97: {  	_ =	strace $0x8FFFFFFF  }
0x98: {  	s19 =	sld [smem:$0x3FDB];
	_ =	sdelay $0x1  }
0x99: {  	s4 =	simm.s32 $_scs_section_size  }
0x9a: {  	s5 =	simm.s32 $_size__tile_overlayer_lowered;
	s6 =	simm.s32 $_tile_overlayer_lowered  }
0x9b: {  	s22 =	simm.s32 $0x1BFF;
	s21 =	sshll.u32 s6, $0x1;
	s3 =	sadd.s32 s4, s19  }
0x9c: {  	s7 =	simm.s32 $0x0;
	s20 =	sshll.u32 s5, $0x1;
	s5 =	sadd.s32 s21, s3  }
0x9d: {  	[timem:s7], [sflag:s22] =	dma.local [hbm:s5], s20  }
0x9e: {  	_ =	swait.ge [sflag:s22], s20  }
0x9f: {  	s4 =	ssub.s32 $0x0, s20;
	[sflag:s22] =	ssyncset.done $0x0  }
0xa0: {  	[sflag:s22] =	ssyncadd.s32 s4;
	_ =	sdelay $0x1  }
0xa1: {  	s23 =	simm.s32 $0x1B8B  }
0xa2: {  	_ =	swait.ge [sflag:s23], $0x1  }
0xa3: {  	[sflag:s23] =	ssyncset.done $0x0  }
0xa4: {  	s25 =	simm.s32 $0x1B8E;
	s24 =	sld [smem:$0x3FFE];
	[sflag:s23] =	ssyncadd.s32 $0xFFFFFFFF  }
0xa5: {  	s26 =	simm.s32 $execute0_lowered;
	[smem:$0x3FD2] =	sst s25  }
0xa6: {  	s5 =	sshll.u32 s26, $0x1;
	_ =	strace $0x80000046;
	[dreg:$0x1] =	wrdreg $0xFFFFFFFF  }
0xa7: {  	s28 =	simm.s32 $_size_execute0_lowered;
	s3 =	sadd.s32 s3, s5;
	[dreg:$0x0] =	wrdreg $0x0  }
0xa8: {  	s5 =	sshll.u32 s28, $0x1;
	[dreg:$0x2] =	wrdreg s3  }
0xa9: {  	[dreg:$0x3] =	wrdreg s5  }
0xaa: {  	[dreg:$0x4] =	wrdreg $0xC0  }
0xab: {  	_ =	task [dreg:s7], $0x5FFFF  }
0xac: {  	[dreg:$0x1] =	wrdreg $0xFFFFFFFF  }
0xad: {  	[dreg:$0x0] =	wrdreg $0x60  }
0xae: {  	[dreg:$0x2] =	wrdreg s24  }
0xaf: {  	[dreg:$0x3] =	wrdreg s2  }
0xb0: {  	[dreg:$0x4] =	wrdreg $0xBE000  }
0xb1: {  	[dreg:$0x5] =	wrdreg $0x9  }
0xb2: {  	_ =	task.clear_ibuf [dreg:s7], $0x6FFFF;
	_ =	strace $0x90000046  }
0xb3: {  	s29 =	simm.s32 $0x9;
	_ =	strace $0x80000048  }
0xb4: {  	_ =	swait.ge [sflag:s29], $0x1  }
0xb5: {  	[sflag:s29] =	ssyncadd.s32 $0xFFFFFFFF  }
0xb6: {  	_ =	strace $0x90000048  }
0xb7: {  	_ =	sfence  }
0xb8: {  	s30 =	sld [smem:$0x0];
	_ =	sdelay $0x2  }
0xb9: {  	s31 =	sshll.u32 s1, $0xD;
	s1 =	sshrl.u32 s1, $0x2  }
0xba: {  	s3 =	sand.u32 $0x4000, s31;
	s1 =	sadd.s32 s1, s30  }
0xbb: {  	s0 =	sor.u32 s3, s0;
	s1 =	sshll.u32 s1, $0x11  }
0xbc: {  	s0 =	sor.u32 s1, s0  }
0xbd: {  	s0 =	sadd.s32 $0x8F2B, s0  }
0xbe: {  	[sflag:s0] =	ssyncadd.remote.s32 $0x1  }
0xbf: {  	_ =	sfence.sel $0xFFFF  }
0xc0: {  	[dreg:$0x0] =	wrdreg $0xFFFFFFFF;
	(pc) =	sbr.abs _section_cstart, $3  }
0xc1: {  	[dreg:$0x1] =	wrdreg $0xFFFFFFFF  }
0xc2: {  	_ =	task.clear_ibuf [dreg:s7], $0x2FFFF;
	_ =	strace $0x9FFFFFFF  }
0xc3: {  	(tm) =	ssettm $0x7FFFFFFF  }
tec
execute0_lowered:
.L_overlay_start_1:
0x0: {  	(tag) =	ssettag $0x1  }
0x1: {  	s4 =	rddreg [dreg:$0x0]  }
0x2: {  	s7 =	rddreg [dreg:$0x1]  }
0x3: {  	s2 =	rddreg [dreg:$0x2];
	s0 =	stileid.u32  }
0x4: {  	s3 =	srdreg.scid;
	s1 =	rddreg [dreg:$0x3]  }
0x5: {  	s12 =	simm.s32 $0x4E80;
	s13 =	simm.s32 $0x4F00;
	s5 =	smul.u32 $0x9D0, s0  }
0x6: {  	s16 =	simm.s32 $0x0;
	s6 =	sand.u32 $0x1, s3;
	s8 =	smul.u32 $0x9E00, s0  }
0x7: {  	s3 =	simm.s32 $0x0;
	s10 =	smul.u32 $0x27800, s0;
	s14 =	sshll.u32 s0, $0x6  }
0x8: {  	s9 =	ssub.s32 $0x2, s6;
	[smem:$0x7FF] =	sst s3;
	s6 =	smul.u32 $0x9E000, s6  }
0x9: {  	s14 =	sor.u32 $0x1C01, s14;
	s11 =	sshrl.u32 s9, $0x1;
	_ =	strace $0x80000047  }
0xa: {  	s4 =	sadd.s32 s5, s4;
	s10 =	sshrl.u32 s10, $0x2;
	s5 =	sadd.s32 s8, s2  }
0xb: {  	s9 =	ssub.s32 s9, s11;
	s4 =	sadd.s32 $0xA600, s4;
	s6 =	sadd.s32 s8, s6  }
0xc: {  	s30 =	sadd.s32 s10, s2;
	s10 =	simm.s32 $0x6F00;
	s11 =	simm.s32 $0x80  }
0xd: {  	s15 =	sshrl.u32 s5, $0x3;
	s31 =	sshrl.u32 s6, $0x3;
	s6 =	sadd.s32 $0x4F00, s30  }
0xe: {  	v0 =	vimm.f32 $0.0e+00;
	v1 =	vimm.f32 $1.000000000e+00;
	s8 =	smax.u32 s9, $0x1;
	s9 =	simm.s32 $0x1;
	s7 =	sadd.s32 s7, s31  }
.LBB2_1:
0xf: {  	[tilespmem:s3], [sflag:$0x1] =	stream.linear.gather [hbm4b:s4+s3], $0x4E80, $0x38;
	[tilespmem:$0x15C00] =	vst v63  }
0x10: {  	_ =	swait.ge [sflag:s9], $0x4E80  }
0x11: {  	[sflag:s9] =	ssyncset.done $0x0  }
0x12: {  	s18 =	simm.s32 $0x100;
	s17 =	simm.s32 $0x0;
	[sflag:s9] =	ssyncadd.s32 $0xFFFFB180  }
.LBB2_2:
0x13: {  	p0 =	sne.s32 s18, $0x13B00;
	[tilespmem:s17+$0x6F30] =	vst v0;
	s19 =	smov.u32 s18;
	s18 =	sadd.s32 $0x100, s18  }
.Ltmp0:
0x14: {  	[tilespmem:s17+$0x6F20] =	vst v0;
	(pc) =	sbr.rel @p0 .LBB2_2-.Ltmp0, $3  }
0x15: {  	[tilespmem:s17+$0x6F00] =	vst v0  }
0x16: {  	[tilespmem:s17+$0x6F10] =	vst v0;
	_ =	sdelay $0x1  }
0x17: {  	s17 =	sshra.s32 s19, $0x2  }
0x18: {  	[tilespmem:s17+$0x6F30] =	vst v0  }
0x19: {  	[tilespmem:s17+$0x6F20] =	vst v0  }
0x1a: {  	[tilespmem:s17+$0x6F00] =	vst v0  }
0x1b: {  	[tilespmem:s17+$0x6F10] =	vst v0  }
0x1c: {  	[spmem:s5] =	stream.linear.scatter [tilespmem:s10], [sflag:$0x1], $0x4F00, $0x38;
	[tilespmem:$0x15C00] =	vst v63  }
0x1d: {  	_ =	swait.ge [sflag:s9], $0x4F00  }
0x1e: {  	[sflag:s9] =	ssyncset.done $0x0  }
0x1f: {  	[sflag:s9] =	ssyncadd.s32 $0xFFFFB100  }
0x20: {  	[spmem:s6] =	stream.linear.scatter [tilespmem:s10], [sflag:$0x1], $0x4F00, $0x38;
	[tilespmem:$0x15C00] =	vst v63  }
0x21: {  	_ =	swait.ge [sflag:s9], $0x4F00  }
0x22: {  	[sflag:s9] =	ssyncset.done $0x0  }
0x23: {  	s18 =	simm.s32 $0x100;
	s17 =	simm.s32 $0x0;
	[sflag:s9] =	ssyncadd.s32 $0xFFFFB100  }
.LBB2_4:
0x24: {  	p0 =	sne.s32 s18, $0x7F00;
	[tilespmem:s17+$0x4F30] =	vst v1;
	s19 =	smov.u32 s18;
	s18 =	sadd.s32 $0x100, s18  }
.Ltmp1:
0x25: {  	[tilespmem:s17+$0x4F20] =	vst v1;
	(pc) =	sbr.rel @p0 .LBB2_4-.Ltmp1, $3  }
0x26: {  	[tilespmem:s17+$0x4F00] =	vst v1  }
0x27: {  	[tilespmem:s17+$0x4F10] =	vst v1;
	_ =	sdelay $0x1  }
0x28: {  	s17 =	sshra.s32 s19, $0x2  }
0x29: {  	[tilespmem:s17+$0x4F30] =	vst v1  }
0x2a: {  	[tilespmem:s17+$0x4F20] =	vst v1  }
0x2b: {  	[tilespmem:s17+$0x4F00] =	vst v1  }
0x2c: {  	[tilespmem:s17+$0x4F10] =	vst v1  }
0x2d: {  	s31 =	simm.s32 $0x0;
	[bflag:$0x0] =	sbarrier.arrive $0xFFFF  }
0x2e: {  	v2 =	vld [tilespmem:s31+$0x0];
	_ =	sdelay $0x4  }
0x2f: {  	[tilespmem:$0x4E80] =	vst v2  }
0x30: {  	v2 =	vld [tilespmem:s31+$0x10];
	_ =	sdelay $0x4  }
0x31: {  	[tilespmem:$0x4E90] =	vst v2  }
0x32: {  	v2 =	vld [tilespmem:s31+$0x20];
	_ =	sdelay $0x4  }
0x33: {  	[tilespmem:$0x4EA0] =	vst v2  }
0x34: {  	v2 =	vld [tilespmem:s31+$0x30];
	_ =	sdelay $0x4  }
0x35: {  	[tilespmem:$0x4EB0] =	vst v2  }
0x36: {  	v2 =	vld [tilespmem:s31+$0x40];
	_ =	sdelay $0x4  }
0x37: {  	[tilespmem:$0x4EC0] =	vst v2  }
0x38: {  	v2 =	vld [tilespmem:s31+$0x50];
	_ =	sdelay $0x4  }
0x39: {  	[tilespmem:$0x4ED0] =	vst v2  }
0x3a: {  	v2 =	vld [tilespmem:s31+$0x60];
	_ =	sdelay $0x4  }
0x3b: {  	[tilespmem:$0x4EE0] =	vst v2  }
0x3c: {  	v2 =	vld [tilespmem:s31+$0x70];
	_ =	sdelay $0x4  }
0x3d: {  	[tilespmem:$0x4EF0] =	vst v2  }
0x3e: {  	[spmem:s2] =	stream.indirect.scatter.add.f32 [tilespmem:s13], [sflag:$0x1], $0x40, s12, s11, $0xb8;
	[tilespmem:$0x15C00] =	vst v63  }
0x3f: {  	_ =	swait.ge [sflag:s9], $0x2000  }
0x40: {  	s17 =	simm.s32 $0x200;
	s19 =	simm.s32 $0x400;
	[sflag:s9] =	ssyncset.done $0x0  }
.LBB2_6:
0x41: {  	s20 =	sshra.s32 s17, $0x2  }
0x42: {  	[sflag:s9] =	ssyncadd.s32 $0xFFFFE000;
	s17 =	smov.u32 s19;
	s18 =	sadd.s32 $0x200, s19  }
0x43: {  	p0 =	sne.s32 s19, $0x13800;
	v2 =	vld [tilespmem:s20+$0x0];
	_ =	sdelay $0x4  }
0x44: {  	[tilespmem:$0x4E80] =	vst v2  }
0x45: {  	v2 =	vld [tilespmem:s20+$0x10];
	_ =	sdelay $0x4  }
0x46: {  	[tilespmem:$0x4E90] =	vst v2  }
0x47: {  	v2 =	vld [tilespmem:s20+$0x20];
	_ =	sdelay $0x4  }
0x48: {  	[tilespmem:$0x4EA0] =	vst v2  }
0x49: {  	v2 =	vld [tilespmem:s20+$0x30];
	_ =	sdelay $0x4  }
0x4a: {  	[tilespmem:$0x4EB0] =	vst v2  }
0x4b: {  	v2 =	vld [tilespmem:s20+$0x40];
	_ =	sdelay $0x4  }
0x4c: {  	[tilespmem:$0x4EC0] =	vst v2  }
0x4d: {  	v2 =	vld [tilespmem:s20+$0x50];
	_ =	sdelay $0x4  }
0x4e: {  	[tilespmem:$0x4ED0] =	vst v2  }
0x4f: {  	v2 =	vld [tilespmem:s20+$0x60];
	_ =	sdelay $0x4  }
0x50: {  	[tilespmem:$0x4EE0] =	vst v2  }
0x51: {  	v2 =	vld [tilespmem:s20+$0x70];
	_ =	sdelay $0x3  }
.Ltmp2:
0x52: {  	(pc) =	sbr.rel @p0 .LBB2_6-.Ltmp2, $4  }
0x53: {  	[tilespmem:$0x4EF0] =	vst v2  }
0x54: {  	[spmem:s2] =	stream.indirect.scatter.add.f32 [tilespmem:s13], [sflag:$0x1], $0x40, s12, s11, $0xb8;
	[tilespmem:$0x15C00] =	vst v63  }
0x55: {  	_ =	swait.ge [sflag:s9], $0x2000  }
0x56: {  	s19 =	smov.u32 s18;
	[sflag:s9] =	ssyncset.done $0x0  }
0x57: {  	s17 =	sshra.s32 s17, $0x2;
	[sflag:s9] =	ssyncadd.s32 $0xFFFFE000  }
0x58: {  	v2 =	vld [tilespmem:s17+$0x0];
	_ =	sdelay $0x4  }
0x59: {  	[tilespmem:$0x4E80] =	vst v2  }
0x5a: {  	v2 =	vld [tilespmem:s17+$0x10];
	_ =	sdelay $0x4  }
0x5b: {  	[tilespmem:$0x4E90] =	vst v2  }
0x5c: {  	v2 =	vld [tilespmem:s17+$0x20];
	_ =	sdelay $0x4  }
0x5d: {  	[tilespmem:$0x4EA0] =	vst v2  }
0x5e: {  	v2 =	vld [tilespmem:s17+$0x30];
	_ =	sdelay $0x4  }
0x5f: {  	[tilespmem:$0x4EB0] =	vst v2  }
0x60: {  	v2 =	vld [tilespmem:s17+$0x40];
	_ =	sdelay $0x4  }
0x61: {  	[tilespmem:$0x4EC0] =	vst v2  }
0x62: {  	v2 =	vld [tilespmem:s17+$0x50];
	_ =	sdelay $0x4  }
0x63: {  	[tilespmem:$0x4ED0] =	vst v2  }
0x64: {  	v2 =	vld [tilespmem:s17+$0x60];
	_ =	sdelay $0x4  }
0x65: {  	[tilespmem:$0x4EE0] =	vst v2  }
0x66: {  	v2 =	vld [tilespmem:s17+$0x70];
	_ =	sdelay $0x4  }
0x67: {  	[tilespmem:$0x4EF0] =	vst v2  }
0x68: {  	[spmem:s2] =	stream.indirect.scatter.add.f32 [tilespmem:s13], [sflag:$0x1], $0x40, s12, s11, $0xb8;
	[tilespmem:$0x15C00] =	vst v63  }
0x69: {  	_ =	swait.ge [sflag:s9], $0x2000  }
0x6a: {  	s16 =	sadd.s32 $0x1, s16;
	[sflag:s9] =	ssyncset.done $0x0  }
0x6b: {  	p0 =	sne.s32 s16, s8;
	[sflag:s9] =	ssyncadd.s32 $0xFFFFE000  }
.Ltmp3:
0x6c: {  	[bflag:$0x0] =	sbarrier.arrive $0xFFFF;
	(pc) =	sbr.rel @p0 .LBB2_1-.Ltmp3, $4  }
0x6d: {  	[hbm:s7], [sflag:s14] =	dma.local [spmem:s15], $0x13C0  }
0x6e: {  	_ =	swait.ge [sflag:s9], $0x13C0  }
0x6f: {  	[sflag:s9] =	ssyncset.done $0x0  }
0x70: {  	[sflag:s9] =	ssyncadd.s32 $0xFFFFEC40  }
0x71: {  	_ =	sfence.sel $0x180000  }
0x72: {  	[bflag:$0x0] =	sbarrier.arrive $0xFFFF  }
0x73: {  	p0 =	sne.s32 s0, $0x0;
	_ =	strace $0x90000047  }
0x74: {  	s0 =	sadd.s32 @!p0 $0x100000, s1;
	[bflag:$0x2] =	sbarrier.arrive $0xFFFF  }
0x75: {  	[sflag:s0] =	ssyncadd.tile.s32 @!p0 $0x1;
	_ =	shalt  }
.Lfunc_end2:
_tile_overlayer_lowered:
.L_overlay_start_2:
0x76: {  	(tag) =	ssettag $0x2  }
0x77: {  	s0 =	rddreg [dreg:$0x0];
	s2 =	stileid.u32  }
0x78: {  	s1 =	rddreg [dreg:$0x1];
	p0 =	sne.s32 s2, $0x0  }
0x79: {  	s3 =	rddreg [dreg:$0x2];
	[bflag:$0x3] =	sbarrier.arrive $0xFFFF;
	s2 =	simm.s32 @!p0 $0x1C01  }
0x7a: {  	[timem:s3], [sflag:s2] =	dma.local @!p0 [hbm:s0], s1  }
0x7b: {  	s0 =	simm.s32 @!p0 $0x1  }
0x7c: {  	_ =	swait.ge @!p0 [sflag:s0], s1  }
0x7d: {  	s1 =	ssub.s32 @!p0 $0x0, s1;
	[sflag:s0] =	ssyncset.done @!p0 $0x0  }
0x7e: {  	[sflag:s0] =	ssyncadd.s32 @!p0 s1  }
0x7f: {  	[bflag:$0x3] =	sbarrier.arrive $0xFFFF  }
0x80: {  	_ =	shalt  }

</sc_bundles>
